<compile_context>
chip_gen: v7x
topology: tpu7x:2x2x1
jax: 0.10.2.dev20260603
libtpu: 0.0.44.dev20260713+nightly
codegen_flags: <defaults>
</compile_context>

<pallas_src>
import jax
import jax.numpy as jnp
from jax import lax
from jax.experimental import pallas as pl
from jax.experimental.pallas import tpu as pltpu, tpu_sc as plsc

B, F, V, D = 16384, 26, 1000000, 16
FP = 32
SDP = FP * D
H1, H2, H3 = 1024, 512, 256
EPS = 1e-5

_NC, _NS = 2, 16
_NW = _NC * _NS
_N = B * FP
_PER_W = _N // _NW
_NCHUNK = 8
_CH = _PER_W // _NCHUNK


def _gather_body(idx_hbm, table_hbm, out_hbm, idx_v, rows_a, rows_b, sem_in, sem_a, sem_b):
    wid = lax.axis_index("s") * _NC + lax.axis_index("c")
    base = wid * _PER_W
    pltpu.async_copy(idx_hbm.at[pl.ds(base, _PER_W)], idx_v, sem_in).wait()

    bufs = (rows_a, rows_b)
    sems = (sem_a, sem_b)

    pltpu.async_copy(table_hbm.at[idx_v.at[pl.ds(0, _CH)]], rows_a, sem_a)
    for c in range(_NCHUNK):
        cur = bufs[c % 2]
        if c + 1 < _NCHUNK:
            pltpu.async_copy(
                table_hbm.at[idx_v.at[pl.ds((c + 1) * _CH, _CH)]],
                bufs[(c + 1) % 2], sems[(c + 1) % 2])
        pltpu.make_async_copy(table_hbm.at[idx_v.at[pl.ds(c * _CH, _CH)]],
                              cur, sems[c % 2]).wait()
        pltpu.sync_copy(cur, out_hbm.at[pl.ds(base + c * _CH, _CH)])


@jax.jit
def _sc_gather(idx_flat, table):
    mesh = plsc.VectorSubcoreMesh(core_axis_name="c", subcore_axis_name="s")
    k = pl.kernel(
        _gather_body,
        out_type=jax.ShapeDtypeStruct((_N, D), jnp.float32),
        mesh=mesh,
        scratch_types=[
            pltpu.VMEM((_PER_W,), jnp.int32),
            pltpu.VMEM((_CH, D), jnp.float32),
            pltpu.VMEM((_CH, D), jnp.float32),
            pltpu.SemaphoreType.DMA,
            pltpu.SemaphoreType.DMA,
            pltpu.SemaphoreType.DMA,
        ],
        compiler_params=pltpu.CompilerParams(use_tc_tiling_on_sc=False),
    )
    return k(idx_flat, table)


_CW = 25600


def _trans_body(t_ref, o_ref):
    x = t_ref[...]
    y = x.T
    y3 = y.reshape(_CW // 8, 8, 16)
    d16 = lax.iota(jnp.int32, 16)
    acc = None
    for a in range(8):
        onehot = (d16[:, None] + 16 * a == lax.iota(jnp.int32, 128)[None, :]
                  ).astype(jnp.float32)
        term = lax.dot_general(y3[:, a, :], onehot, (((1,), (0,)), ((), ())),
                               preferred_element_type=jnp.float32)
        acc = term if acc is None else acc + term
    o_ref[...] = acc


def _tc_transpose(tT):
    return pl.pallas_call(
        _trans_body,
        grid=((V + _CW - 1) // _CW,),
        in_specs=[pl.BlockSpec((16, _CW), lambda i: (0, i))],
        out_specs=pl.BlockSpec((_CW // 8, 128), lambda i: (i, 0)),
        out_shape=jax.ShapeDtypeStruct((V * D // 128, 128), jnp.float32),
        compiler_params=pltpu.CompilerParams(
            dimension_semantics=("arbitrary",),
        ),
    )(tT)


_BLK = 512


def _mlp_body(x_ref, scale_ref, shift_ref,
              w1_ref, b1_ref, w2_ref, b2_ref, w3_ref, b3_ref, o_ref):
    x4 = x_ref[...]
    xn = x4 * scale_ref[...][:, None, :] + shift_ref[...][:, None, :]
    h = b1_ref[...]
    for j in range(4):
        h = h + jnp.dot(xn[j], w1_ref[pl.ds(j * 128, 128), :],
                        preferred_element_type=jnp.float32)
    h = jnp.maximum(h, 0.0)
    h = jnp.dot(h, w2_ref[...], preferred_element_type=jnp.float32) + b2_ref[...]
    h = jnp.maximum(h, 0.0)
    h = jnp.dot(h, w3_ref[...], preferred_element_type=jnp.float32) + b3_ref[...]
    o_ref[...] = jnp.maximum(h, 0.0)


def _mlp(x3, scale4, shift4, W1p, b1, W2, b2, W3, b3):
    def vspec(n):
        return pl.BlockSpec((1, n), lambda i: (0, 0))

    return pl.pallas_call(
        _mlp_body,
        grid=(B // _BLK,),
        in_specs=[
            pl.BlockSpec((4, _BLK, 128), lambda i: (0, i, 0)),
            pl.BlockSpec((4, 128), lambda i: (0, 0)),
            pl.BlockSpec((4, 128), lambda i: (0, 0)),
            pl.BlockSpec((SDP, H1), lambda i: (0, 0)), vspec(H1),
            pl.BlockSpec((H1, H2), lambda i: (0, 0)), vspec(H2),
            pl.BlockSpec((H2, H3), lambda i: (0, 0)), vspec(H3),
        ],
        out_specs=pl.BlockSpec((_BLK, H3), lambda i: (i, 0)),
        out_shape=jax.ShapeDtypeStruct((B, H3), jnp.float32),
        compiler_params=pltpu.CompilerParams(
            dimension_semantics=("arbitrary",),
        ),
    )(x3, scale4, shift4, W1p, b1.reshape(1, H1), W2, b2.reshape(1, H2),
      W3, b3.reshape(1, H3))


def kernel(indices, table, gamma, beta, mean, var, W1, b1, W2, b2, W3, b3):
    fill = (jnp.arange(B, dtype=jnp.int32)[:, None] * (FP - F)
            + jnp.arange(FP - F, dtype=jnp.int32)[None, :]) % V
    idx_pad = jnp.concatenate([indices.astype(jnp.int32), fill], axis=1)
    idx_seq = idx_pad.reshape(B, 4, 8).transpose(1, 0, 2).reshape(-1)
    tbl_lin = _tc_transpose(table.T).reshape(V, D)
    rows = _sc_gather(idx_seq, tbl_lin)
    x3 = rows.reshape(4, B, 128)
    scale = gamma * lax.rsqrt(var + EPS)
    scale4 = jnp.pad(scale, (0, SDP - F * D)).reshape(4, 128)
    shift4 = jnp.pad(beta - mean * scale, (0, SDP - F * D)).reshape(4, 128)
    W1p = jnp.pad(W1, ((0, SDP - F * D), (0, 0)))
    return _mlp(x3, scale4, shift4, W1p, b1, W2, b2, W3, b3)

# --- scband reference (transcript-rebuilt; emitter-appended) ---
"""Pipeline reference for scband-user-module-70162585747683 (READ-ONLY COPY).

The authoritative reference and input builder live on the scoring server;
editing this copy changes nothing except your own understanding.
"""

import jax, jax.numpy as jnp
import numpy as np

B, F, V, D = 16384, 26, 1000000, 16
SD = F * D  # sparse output dim = 416
H1, H2, H3 = 1024, 512, 256
EPS = 1e-5


def setup_inputs(seed: int = 0) -> dict:
    key = jax.random.key(seed)
    ks = jax.random.split(key, 8)
    indices = jax.random.randint(ks[0], (B, F), 0, V, dtype=jnp.int64) if jax.config.jax_enable_x64 else jax.random.randint(ks[0], (B, F), 0, V, dtype=jnp.int32)
    # embedding table, NormalTensorInitializer(var=0.01) -> std 0.1
    table = jax.random.normal(ks[1], (V, D), dtype=jnp.float32) * 0.1
    # batch-norm (inference-style) params/buffers for ms.nn.Normalization
    gamma = jnp.ones((SD,), jnp.float32)
    beta = jnp.zeros((SD,), jnp.float32)
    mean = jnp.zeros((SD,), jnp.float32)
    var = jnp.ones((SD,), jnp.float32)
    def dense(k, i, o):
        return jax.random.normal(k, (i, o), dtype=jnp.float32) * (1.0 / np.sqrt(i))
    W1 = dense(ks[2], SD, H1); b1 = jnp.zeros((H1,), jnp.float32)
    W2 = dense(ks[3], H1, H2); b2 = jnp.zeros((H2,), jnp.float32)
    W3 = dense(ks[4], H2, H3); b3 = jnp.zeros((H3,), jnp.float32)
    return {
        "indices": indices, "table": table,
        "gamma": gamma, "beta": beta, "mean": mean, "var": var,
        "W1": W1, "b1": b1, "W2": W2, "b2": b2, "W3": W3, "b3": b3,
    }


def reference(indices, table, gamma, beta, mean, var, W1, b1, W2, b2, W3, b3):
    # EmbeddingSumConcat: per-field embedding lookup (one id per field here),
    # concatenated across the 26 fields -> [B, F*D]
    emb = jnp.take(table, indices, axis=0)            # [B, F, D] gather
    x = emb.reshape(emb.shape[0], -1)                 # [B, SD]
    # ms.nn.Normalization (batch-norm style, inference with running stats)
    x = (x - mean) / jnp.sqrt(var + EPS) * gamma + beta
    # MLPLayer: 416 -> 1024 -> 512 -> 256, ReLU on each hidden layer, no final activation
    x = jax.nn.relu(x @ W1 + b1)
    x = jax.nn.relu(x @ W2 + b2)
    x = jax.nn.relu(x @ W3 + b3)
    return x

if __name__ == "__main__":
    import jax
    _d = setup_inputs()
    print(jax.jit(kernel)(*tuple(_d.values())))

</pallas_src>

<mosaic_0001>
#map = affine_map<(d0, d1) -> (0)>
#map1 = affine_map<(d0, d1) -> (0, 0)>
module attributes {stable_mosaic.version = 14 : i64} {
  func.func @_gather_body(%arg0: i32, %arg1: i32, %arg2: memref<524288xi32, #tpu.memory_space<hbm>>, %arg3: memref<1000000x16xf32, #tpu.memory_space<hbm>>, %arg4: memref<524288x16xf32, #tpu.memory_space<hbm>>, %arg5: memref<16384xi32, #tpu.memory_space<vmem>>, %arg6: memref<2048x16xf32, #tpu.memory_space<vmem>>, %arg7: memref<2048x16xf32, #tpu.memory_space<vmem>>, %arg8: memref<!tpu.dma_semaphore, #tpu.memory_space<semaphore_mem>>, %arg9: memref<!tpu.dma_semaphore, #tpu.memory_space<semaphore_mem>>, %arg10: memref<!tpu.dma_semaphore, #tpu.memory_space<semaphore_mem>>) attributes {dimension_semantics = [#tpu.dimension_semantics<core_parallel>, #tpu.dimension_semantics<subcore_parallel>], iteration_bounds = array<i64: 2, 16>, scalar_prefetch = 0 : i64, scratch_operands = 6 : i64, tpu.core_type = #tpu.core_type<sc_vector_subcore>, window_params = [{transform_indices = #map}, {transform_indices = #map1}, {transform_indices = #map1}]} {
    %mul3A = arith.constant 2 : i32
    %mul3A_0 = arith.muli %arg1, %mul3A : i32
    %add3A = arith.addi %mul3A_0, %arg0 : i32
    %mul3A_1 = arith.constant 16384 : i32
    %mul3A_2 = arith.muli %add3A, %mul3A_1 : i32
    %dma_start3A = tpu.memref_slice %arg2[%mul3A_2] : memref<524288xi32, #tpu.memory_space<hbm>> -> memref<16384xi32, #tpu.memory_space<hbm>>
    %dma_start3A_3 = tpu.memref_slice %arg2[%mul3A_2] : memref<524288xi32, #tpu.memory_space<hbm>> -> memref<16384xi32, #tpu.memory_space<hbm>>
    tpu.enqueue_dma source(%dma_start3A_3 : memref<16384xi32, #tpu.memory_space<hbm>>) target(%arg5 : memref<16384xi32, #tpu.memory_space<vmem>>) target_semaphore(%arg8 : memref<!tpu.dma_semaphore, #tpu.memory_space<semaphore_mem>>)
    %dma_wait3A = tpu.memref_slice %arg2[%mul3A_2] : memref<524288xi32, #tpu.memory_space<hbm>> -> memref<16384xi32, #tpu.memory_space<hbm>>
    %dma_wait3A_4 = tpu.memref_slice %arg2[%mul3A_2] : memref<524288xi32, #tpu.memory_space<hbm>> -> memref<16384xi32, #tpu.memory_space<hbm>>
    tpu.wait_dma2 semaphore(%arg8 : memref<!tpu.dma_semaphore, #tpu.memory_space<semaphore_mem>>) src(%dma_wait3A_4 : memref<16384xi32, #tpu.memory_space<hbm>>) dst(%arg5 : memref<16384xi32, #tpu.memory_space<vmem>>)
    %dma_start3A_5 = arith.constant 0 : i32
    %dma_start3A_6 = tpu.memref_slice %arg5[%dma_start3A_5] : memref<16384xi32, #tpu.memory_space<vmem>> -> memref<2048xi32, #tpu.memory_space<vmem>>
    %dma_start3A_7 = arith.constant 0 : i32
    %dma_start3A_8 = arith.constant 0 : i32
    %dma_start3A_9 = tpu.memref_slice %arg3[%dma_start3A_7, %dma_start3A_8] : memref<1000000x16xf32, #tpu.memory_space<hbm>> -> memref<1000000x16xf32, #tpu.memory_space<hbm>>
    tpu.enqueue_indirect_dma source(%dma_start3A_9 : memref<1000000x16xf32, #tpu.memory_space<hbm>>) target(%arg6 : memref<2048x16xf32, #tpu.memory_space<vmem>>) offsets(%dma_start3A_6 : memref<2048xi32, #tpu.memory_space<vmem>>) semaphore(%arg9 : memref<!tpu.dma_semaphore, #tpu.memory_space<semaphore_mem>>)
    %dma_start3A_10 = arith.constant 2048 : i32
    %dma_start3A_11 = tpu.memref_slice %arg5[%dma_start3A_10] : memref<16384xi32, #tpu.memory_space<vmem>> -> memref<2048xi32, #tpu.memory_space<vmem>>
    %dma_start3A_12 = arith.constant 0 : i32
    %dma_start3A_13 = arith.constant 0 : i32
    %dma_start3A_14 = tpu.memref_slice %arg3[%dma_start3A_12, %dma_start3A_13] : memref<1000000x16xf32, #tpu.memory_space<hbm>> -> memref<1000000x16xf32, #tpu.memory_space<hbm>>
    tpu.enqueue_indirect_dma source(%dma_start3A_14 : memref<1000000x16xf32, #tpu.memory_space<hbm>>) target(%arg7 : memref<2048x16xf32, #tpu.memory_space<vmem>>) offsets(%dma_start3A_11 : memref<2048xi32, #tpu.memory_space<vmem>>) semaphore(%arg10 : memref<!tpu.dma_semaphore, #tpu.memory_space<semaphore_mem>>)
    %dma_wait3A_15 = arith.constant 0 : i32
    %dma_wait3A_16 = tpu.memref_slice %arg5[%dma_wait3A_15] : memref<16384xi32, #tpu.memory_space<vmem>> -> memref<2048xi32, #tpu.memory_space<vmem>>
    %dma_wait3A_17 = arith.constant 0 : i32
    %dma_wait3A_18 = arith.constant 0 : i32
    %dma_wait3A_19 = tpu.memref_slice %arg3[%dma_wait3A_17, %dma_wait3A_18] : memref<1000000x16xf32, #tpu.memory_space<hbm>> -> memref<1000000x16xf32, #tpu.memory_space<hbm>>
    tpu.wait_indirect_dma semaphore(%arg9 : memref<!tpu.dma_semaphore, #tpu.memory_space<semaphore_mem>>) src(%dma_wait3A_19 : memref<1000000x16xf32, #tpu.memory_space<hbm>>) dst(%arg6 : memref<2048x16xf32, #tpu.memory_space<vmem>>)
    %add3A_20 = arith.constant 0 : i32
    %add3A_21 = arith.addi %mul3A_2, %add3A_20 : i32
    "tpu.region"() ({
      %run_scoped3A = tpu.sem_alloc : memref<!tpu.dma_semaphore, #tpu.memory_space<semaphore_mem>>
      %dma_start3A_101 = arith.constant 0 : i32
      %dma_start3A_102 = tpu.memref_slice %arg4[%add3A_21, %dma_start3A_101] : memref<524288x16xf32, #tpu.memory_space<hbm>> -> memref<2048x16xf32, #tpu.memory_space<hbm>>
      %dma_start3A_103 = arith.constant 0 : i32
      %dma_start3A_104 = tpu.memref_slice %arg4[%add3A_21, %dma_start3A_103] : memref<524288x16xf32, #tpu.memory_space<hbm>> -> memref<2048x16xf32, #tpu.memory_space<hbm>>
      tpu.enqueue_dma source(%arg6 : memref<2048x16xf32, #tpu.memory_space<vmem>>) target(%dma_start3A_104 : memref<2048x16xf32, #tpu.memory_space<hbm>>) target_semaphore(%run_scoped3A : memref<!tpu.dma_semaphore, #tpu.memory_space<semaphore_mem>>)
      %dma_wait3A_105 = arith.constant 0 : i32
      %dma_wait3A_106 = tpu.memref_slice %arg4[%add3A_21, %dma_wait3A_105] : memref<524288x16xf32, #tpu.memory_space<hbm>> -> memref<2048x16xf32, #tpu.memory_space<hbm>>
      %dma_wait3A_107 = arith.constant 0 : i32
      %dma_wait3A_108 = tpu.memref_slice %arg4[%add3A_21, %dma_wait3A_107] : memref<524288x16xf32, #tpu.memory_space<hbm>> -> memref<2048x16xf32, #tpu.memory_space<hbm>>
      tpu.wait_dma2 semaphore(%run_scoped3A : memref<!tpu.dma_semaphore, #tpu.memory_space<semaphore_mem>>) src(%arg6 : memref<2048x16xf32, #tpu.memory_space<vmem>>) dst(%dma_wait3A_108 : memref<2048x16xf32, #tpu.memory_space<hbm>>)
      tpu.yield
    }) : () -> ()
    %dma_start3A_22 = arith.constant 4096 : i32
    %dma_start3A_23 = tpu.memref_slice %arg5[%dma_start3A_22] : memref<16384xi32, #tpu.memory_space<vmem>> -> memref<2048xi32, #tpu.memory_space<vmem>>
    %dma_start3A_24 = arith.constant 0 : i32
    %dma_start3A_25 = arith.constant 0 : i32
    %dma_start3A_26 = tpu.memref_slice %arg3[%dma_start3A_24, %dma_start3A_25] : memref<1000000x16xf32, #tpu.memory_space<hbm>> -> memref<1000000x16xf32, #tpu.memory_space<hbm>>
    tpu.enqueue_indirect_dma source(%dma_start3A_26 : memref<1000000x16xf32, #tpu.memory_space<hbm>>) target(%arg6 : memref<2048x16xf32, #tpu.memory_space<vmem>>) offsets(%dma_start3A_23 : memref<2048xi32, #tpu.memory_space<vmem>>) semaphore(%arg9 : memref<!tpu.dma_semaphore, #tpu.memory_space<semaphore_mem>>)
    %dma_wait3A_27 = arith.constant 2048 : i32
    %dma_wait3A_28 = tpu.memref_slice %arg5[%dma_wait3A_27] : memref<16384xi32, #tpu.memory_space<vmem>> -> memref<2048xi32, #tpu.memory_space<vmem>>
    %dma_wait3A_29 = arith.constant 0 : i32
    %dma_wait3A_30 = arith.constant 0 : i32
    %dma_wait3A_31 = tpu.memref_slice %arg3[%dma_wait3A_29, %dma_wait3A_30] : memref<1000000x16xf32, #tpu.memory_space<hbm>> -> memref<1000000x16xf32, #tpu.memory_space<hbm>>
    tpu.wait_indirect_dma semaphore(%arg10 : memref<!tpu.dma_semaphore, #tpu.memory_space<semaphore_mem>>) src(%dma_wait3A_31 : memref<1000000x16xf32, #tpu.memory_space<hbm>>) dst(%arg7 : memref<2048x16xf32, #tpu.memory_space<vmem>>)
    %add3A_32 = arith.constant 2048 : i32
    %add3A_33 = arith.addi %mul3A_2, %add3A_32 : i32
    "tpu.region"() ({
      %run_scoped3A = tpu.sem_alloc : memref<!tpu.dma_semaphore, #tpu.memory_space<semaphore_mem>>
      %dma_start3A_101 = arith.constant 0 : i32
      %dma_start3A_102 = tpu.memref_slice %arg4[%add3A_33, %dma_start3A_101] : memref<524288x16xf32, #tpu.memory_space<hbm>> -> memref<2048x16xf32, #tpu.memory_space<hbm>>
      %dma_start3A_103 = arith.constant 0 : i32
      %dma_start3A_104 = tpu.memref_slice %arg4[%add3A_33, %dma_start3A_103] : memref<524288x16xf32, #tpu.memory_space<hbm>> -> memref<2048x16xf32, #tpu.memory_space<hbm>>
      tpu.enqueue_dma source(%arg7 : memref<2048x16xf32, #tpu.memory_space<vmem>>) target(%dma_start3A_104 : memref<2048x16xf32, #tpu.memory_space<hbm>>) target_semaphore(%run_scoped3A : memref<!tpu.dma_semaphore, #tpu.memory_space<semaphore_mem>>)
      %dma_wait3A_105 = arith.constant 0 : i32
      %dma_wait3A_106 = tpu.memref_slice %arg4[%add3A_33, %dma_wait3A_105] : memref<524288x16xf32, #tpu.memory_space<hbm>> -> memref<2048x16xf32, #tpu.memory_space<hbm>>
      %dma_wait3A_107 = arith.constant 0 : i32
      %dma_wait3A_108 = tpu.memref_slice %arg4[%add3A_33, %dma_wait3A_107] : memref<524288x16xf32, #tpu.memory_space<hbm>> -> memref<2048x16xf32, #tpu.memory_space<hbm>>
      tpu.wait_dma2 semaphore(%run_scoped3A : memref<!tpu.dma_semaphore, #tpu.memory_space<semaphore_mem>>) src(%arg7 : memref<2048x16xf32, #tpu.memory_space<vmem>>) dst(%dma_wait3A_108 : memref<2048x16xf32, #tpu.memory_space<hbm>>)
      tpu.yield
    }) : () -> ()
    %dma_start3A_34 = arith.constant 6144 : i32
    %dma_start3A_35 = tpu.memref_slice %arg5[%dma_start3A_34] : memref<16384xi32, #tpu.memory_space<vmem>> -> memref<2048xi32, #tpu.memory_space<vmem>>
    %dma_start3A_36 = arith.constant 0 : i32
    %dma_start3A_37 = arith.constant 0 : i32
    %dma_start3A_38 = tpu.memref_slice %arg3[%dma_start3A_36, %dma_start3A_37] : memref<1000000x16xf32, #tpu.memory_space<hbm>> -> memref<1000000x16xf32, #tpu.memory_space<hbm>>
    tpu.enqueue_indirect_dma source(%dma_start3A_38 : memref<1000000x16xf32, #tpu.memory_space<hbm>>) target(%arg7 : memref<2048x16xf32, #tpu.memory_space<vmem>>) offsets(%dma_start3A_35 : memref<2048xi32, #tpu.memory_space<vmem>>) semaphore(%arg10 : memref<!tpu.dma_semaphore, #tpu.memory_space<semaphore_mem>>)
    %dma_wait3A_39 = arith.constant 4096 : i32
    %dma_wait3A_40 = tpu.memref_slice %arg5[%dma_wait3A_39] : memref<16384xi32, #tpu.memory_space<vmem>> -> memref<2048xi32, #tpu.memory_space<vmem>>
    %dma_wait3A_41 = arith.constant 0 : i32
    %dma_wait3A_42 = arith.constant 0 : i32
    %dma_wait3A_43 = tpu.memref_slice %arg3[%dma_wait3A_41, %dma_wait3A_42] : memref<1000000x16xf32, #tpu.memory_space<hbm>> -> memref<1000000x16xf32, #tpu.memory_space<hbm>>
    tpu.wait_indirect_dma semaphore(%arg9 : memref<!tpu.dma_semaphore, #tpu.memory_space<semaphore_mem>>) src(%dma_wait3A_43 : memref<1000000x16xf32, #tpu.memory_space<hbm>>) dst(%arg6 : memref<2048x16xf32, #tpu.memory_space<vmem>>)
    %add3A_44 = arith.constant 4096 : i32
    %add3A_45 = arith.addi %mul3A_2, %add3A_44 : i32
    "tpu.region"() ({
      %run_scoped3A = tpu.sem_alloc : memref<!tpu.dma_semaphore, #tpu.memory_space<semaphore_mem>>
      %dma_start3A_101 = arith.constant 0 : i32
      %dma_start3A_102 = tpu.memref_slice %arg4[%add3A_45, %dma_start3A_101] : memref<524288x16xf32, #tpu.memory_space<hbm>> -> memref<2048x16xf32, #tpu.memory_space<hbm>>
      %dma_start3A_103 = arith.constant 0 : i32
      %dma_start3A_104 = tpu.memref_slice %arg4[%add3A_45, %dma_start3A_103] : memref<524288x16xf32, #tpu.memory_space<hbm>> -> memref<2048x16xf32, #tpu.memory_space<hbm>>
      tpu.enqueue_dma source(%arg6 : memref<2048x16xf32, #tpu.memory_space<vmem>>) target(%dma_start3A_104 : memref<2048x16xf32, #tpu.memory_space<hbm>>) target_semaphore(%run_scoped3A : memref<!tpu.dma_semaphore, #tpu.memory_space<semaphore_mem>>)
      %dma_wait3A_105 = arith.constant 0 : i32
      %dma_wait3A_106 = tpu.memref_slice %arg4[%add3A_45, %dma_wait3A_105] : memref<524288x16xf32, #tpu.memory_space<hbm>> -> memref<2048x16xf32, #tpu.memory_space<hbm>>
      %dma_wait3A_107 = arith.constant 0 : i32
      %dma_wait3A_108 = tpu.memref_slice %arg4[%add3A_45, %dma_wait3A_107] : memref<524288x16xf32, #tpu.memory_space<hbm>> -> memref<2048x16xf32, #tpu.memory_space<hbm>>
      tpu.wait_dma2 semaphore(%run_scoped3A : memref<!tpu.dma_semaphore, #tpu.memory_space<semaphore_mem>>) src(%arg6 : memref<2048x16xf32, #tpu.memory_space<vmem>>) dst(%dma_wait3A_108 : memref<2048x16xf32, #tpu.memory_space<hbm>>)
      tpu.yield
    }) : () -> ()
    %dma_start3A_46 = arith.constant 8192 : i32
    %dma_start3A_47 = tpu.memref_slice %arg5[%dma_start3A_46] : memref<16384xi32, #tpu.memory_space<vmem>> -> memref<2048xi32, #tpu.memory_space<vmem>>
    %dma_start3A_48 = arith.constant 0 : i32
    %dma_start3A_49 = arith.constant 0 : i32
    %dma_start3A_50 = tpu.memref_slice %arg3[%dma_start3A_48, %dma_start3A_49] : memref<1000000x16xf32, #tpu.memory_space<hbm>> -> memref<1000000x16xf32, #tpu.memory_space<hbm>>
    tpu.enqueue_indirect_dma source(%dma_start3A_50 : memref<1000000x16xf32, #tpu.memory_space<hbm>>) target(%arg6 : memref<2048x16xf32, #tpu.memory_space<vmem>>) offsets(%dma_start3A_47 : memref<2048xi32, #tpu.memory_space<vmem>>) semaphore(%arg9 : memref<!tpu.dma_semaphore, #tpu.memory_space<semaphore_mem>>)
    %dma_wait3A_51 = arith.constant 6144 : i32
    %dma_wait3A_52 = tpu.memref_slice %arg5[%dma_wait3A_51] : memref<16384xi32, #tpu.memory_space<vmem>> -> memref<2048xi32, #tpu.memory_space<vmem>>
    %dma_wait3A_53 = arith.constant 0 : i32
    %dma_wait3A_54 = arith.constant 0 : i32
    %dma_wait3A_55 = tpu.memref_slice %arg3[%dma_wait3A_53, %dma_wait3A_54] : memref<1000000x16xf32, #tpu.memory_space<hbm>> -> memref<1000000x16xf32, #tpu.memory_space<hbm>>
    tpu.wait_indirect_dma semaphore(%arg10 : memref<!tpu.dma_semaphore, #tpu.memory_space<semaphore_mem>>) src(%dma_wait3A_55 : memref<1000000x16xf32, #tpu.memory_space<hbm>>) dst(%arg7 : memref<2048x16xf32, #tpu.memory_space<vmem>>)
    %add3A_56 = arith.constant 6144 : i32
    %add3A_57 = arith.addi %mul3A_2, %add3A_56 : i32
    "tpu.region"() ({
      %run_scoped3A = tpu.sem_alloc : memref<!tpu.dma_semaphore, #tpu.memory_space<semaphore_mem>>
      %dma_start3A_101 = arith.constant 0 : i32
      %dma_start3A_102 = tpu.memref_slice %arg4[%add3A_57, %dma_start3A_101] : memref<524288x16xf32, #tpu.memory_space<hbm>> -> memref<2048x16xf32, #tpu.memory_space<hbm>>
      %dma_start3A_103 = arith.constant 0 : i32
      %dma_start3A_104 = tpu.memref_slice %arg4[%add3A_57, %dma_start3A_103] : memref<524288x16xf32, #tpu.memory_space<hbm>> -> memref<2048x16xf32, #tpu.memory_space<hbm>>
      tpu.enqueue_dma source(%arg7 : memref<2048x16xf32, #tpu.memory_space<vmem>>) target(%dma_start3A_104 : memref<2048x16xf32, #tpu.memory_space<hbm>>) target_semaphore(%run_scoped3A : memref<!tpu.dma_semaphore, #tpu.memory_space<semaphore_mem>>)
      %dma_wait3A_105 = arith.constant 0 : i32
      %dma_wait3A_106 = tpu.memref_slice %arg4[%add3A_57, %dma_wait3A_105] : memref<524288x16xf32, #tpu.memory_space<hbm>> -> memref<2048x16xf32, #tpu.memory_space<hbm>>
      %dma_wait3A_107 = arith.constant 0 : i32
      %dma_wait3A_108 = tpu.memref_slice %arg4[%add3A_57, %dma_wait3A_107] : memref<524288x16xf32, #tpu.memory_space<hbm>> -> memref<2048x16xf32, #tpu.memory_space<hbm>>
      tpu.wait_dma2 semaphore(%run_scoped3A : memref<!tpu.dma_semaphore, #tpu.memory_space<semaphore_mem>>) src(%arg7 : memref<2048x16xf32, #tpu.memory_space<vmem>>) dst(%dma_wait3A_108 : memref<2048x16xf32, #tpu.memory_space<hbm>>)
      tpu.yield
    }) : () -> ()
    %dma_start3A_58 = arith.constant 10240 : i32
    %dma_start3A_59 = tpu.memref_slice %arg5[%dma_start3A_58] : memref<16384xi32, #tpu.memory_space<vmem>> -> memref<2048xi32, #tpu.memory_space<vmem>>
    %dma_start3A_60 = arith.constant 0 : i32
    %dma_start3A_61 = arith.constant 0 : i32
    %dma_start3A_62 = tpu.memref_slice %arg3[%dma_start3A_60, %dma_start3A_61] : memref<1000000x16xf32, #tpu.memory_space<hbm>> -> memref<1000000x16xf32, #tpu.memory_space<hbm>>
    tpu.enqueue_indirect_dma source(%dma_start3A_62 : memref<1000000x16xf32, #tpu.memory_space<hbm>>) target(%arg7 : memref<2048x16xf32, #tpu.memory_space<vmem>>) offsets(%dma_start3A_59 : memref<2048xi32, #tpu.memory_space<vmem>>) semaphore(%arg10 : memref<!tpu.dma_semaphore, #tpu.memory_space<semaphore_mem>>)
    %dma_wait3A_63 = arith.constant 8192 : i32
    %dma_wait3A_64 = tpu.memref_slice %arg5[%dma_wait3A_63] : memref<16384xi32, #tpu.memory_space<vmem>> -> memref<2048xi32, #tpu.memory_space<vmem>>
    %dma_wait3A_65 = arith.constant 0 : i32
    %dma_wait3A_66 = arith.constant 0 : i32
    %dma_wait3A_67 = tpu.memref_slice %arg3[%dma_wait3A_65, %dma_wait3A_66] : memref<1000000x16xf32, #tpu.memory_space<hbm>> -> memref<1000000x16xf32, #tpu.memory_space<hbm>>
    tpu.wait_indirect_dma semaphore(%arg9 : memref<!tpu.dma_semaphore, #tpu.memory_space<semaphore_mem>>) src(%dma_wait3A_67 : memref<1000000x16xf32, #tpu.memory_space<hbm>>) dst(%arg6 : memref<2048x16xf32, #tpu.memory_space<vmem>>)
    %add3A_68 = arith.constant 8192 : i32
    %add3A_69 = arith.addi %mul3A_2, %add3A_68 : i32
    "tpu.region"() ({
      %run_scoped3A = tpu.sem_alloc : memref<!tpu.dma_semaphore, #tpu.memory_space<semaphore_mem>>
      %dma_start3A_101 = arith.constant 0 : i32
      %dma_start3A_102 = tpu.memref_slice %arg4[%add3A_69, %dma_start3A_101] : memref<524288x16xf32, #tpu.memory_space<hbm>> -> memref<2048x16xf32, #tpu.memory_space<hbm>>
      %dma_start3A_103 = arith.constant 0 : i32
      %dma_start3A_104 = tpu.memref_slice %arg4[%add3A_69, %dma_start3A_103] : memref<524288x16xf32, #tpu.memory_space<hbm>> -> memref<2048x16xf32, #tpu.memory_space<hbm>>
      tpu.enqueue_dma source(%arg6 : memref<2048x16xf32, #tpu.memory_space<vmem>>) target(%dma_start3A_104 : memref<2048x16xf32, #tpu.memory_space<hbm>>) target_semaphore(%run_scoped3A : memref<!tpu.dma_semaphore, #tpu.memory_space<semaphore_mem>>)
      %dma_wait3A_105 = arith.constant 0 : i32
      %dma_wait3A_106 = tpu.memref_slice %arg4[%add3A_69, %dma_wait3A_105] : memref<524288x16xf32, #tpu.memory_space<hbm>> -> memref<2048x16xf32, #tpu.memory_space<hbm>>
      %dma_wait3A_107 = arith.constant 0 : i32
      %dma_wait3A_108 = tpu.memref_slice %arg4[%add3A_69, %dma_wait3A_107] : memref<524288x16xf32, #tpu.memory_space<hbm>> -> memref<2048x16xf32, #tpu.memory_space<hbm>>
      tpu.wait_dma2 semaphore(%run_scoped3A : memref<!tpu.dma_semaphore, #tpu.memory_space<semaphore_mem>>) src(%arg6 : memref<2048x16xf32, #tpu.memory_space<vmem>>) dst(%dma_wait3A_108 : memref<2048x16xf32, #tpu.memory_space<hbm>>)
      tpu.yield
    }) : () -> ()
    %dma_start3A_70 = arith.constant 12288 : i32
    %dma_start3A_71 = tpu.memref_slice %arg5[%dma_start3A_70] : memref<16384xi32, #tpu.memory_space<vmem>> -> memref<2048xi32, #tpu.memory_space<vmem>>
    %dma_start3A_72 = arith.constant 0 : i32
    %dma_start3A_73 = arith.constant 0 : i32
    %dma_start3A_74 = tpu.memref_slice %arg3[%dma_start3A_72, %dma_start3A_73] : memref<1000000x16xf32, #tpu.memory_space<hbm>> -> memref<1000000x16xf32, #tpu.memory_space<hbm>>
    tpu.enqueue_indirect_dma source(%dma_start3A_74 : memref<1000000x16xf32, #tpu.memory_space<hbm>>) target(%arg6 : memref<2048x16xf32, #tpu.memory_space<vmem>>) offsets(%dma_start3A_71 : memref<2048xi32, #tpu.memory_space<vmem>>) semaphore(%arg9 : memref<!tpu.dma_semaphore, #tpu.memory_space<semaphore_mem>>)
    %dma_wait3A_75 = arith.constant 10240 : i32
    %dma_wait3A_76 = tpu.memref_slice %arg5[%dma_wait3A_75] : memref<16384xi32, #tpu.memory_space<vmem>> -> memref<2048xi32, #tpu.memory_space<vmem>>
    %dma_wait3A_77 = arith.constant 0 : i32
    %dma_wait3A_78 = arith.constant 0 : i32
    %dma_wait3A_79 = tpu.memref_slice %arg3[%dma_wait3A_77, %dma_wait3A_78] : memref<1000000x16xf32, #tpu.memory_space<hbm>> -> memref<1000000x16xf32, #tpu.memory_space<hbm>>
    tpu.wait_indirect_dma semaphore(%arg10 : memref<!tpu.dma_semaphore, #tpu.memory_space<semaphore_mem>>) src(%dma_wait3A_79 : memref<1000000x16xf32, #tpu.memory_space<hbm>>) dst(%arg7 : memref<2048x16xf32, #tpu.memory_space<vmem>>)
    %add3A_80 = arith.constant 10240 : i32
    %add3A_81 = arith.addi %mul3A_2, %add3A_80 : i32
    "tpu.region"() ({
      %run_scoped3A = tpu.sem_alloc : memref<!tpu.dma_semaphore, #tpu.memory_space<semaphore_mem>>
      %dma_start3A_101 = arith.constant 0 : i32
      %dma_start3A_102 = tpu.memref_slice %arg4[%add3A_81, %dma_start3A_101] : memref<524288x16xf32, #tpu.memory_space<hbm>> -> memref<2048x16xf32, #tpu.memory_space<hbm>>
      %dma_start3A_103 = arith.constant 0 : i32
      %dma_start3A_104 = tpu.memref_slice %arg4[%add3A_81, %dma_start3A_103] : memref<524288x16xf32, #tpu.memory_space<hbm>> -> memref<2048x16xf32, #tpu.memory_space<hbm>>
      tpu.enqueue_dma source(%arg7 : memref<2048x16xf32, #tpu.memory_space<vmem>>) target(%dma_start3A_104 : memref<2048x16xf32, #tpu.memory_space<hbm>>) target_semaphore(%run_scoped3A : memref<!tpu.dma_semaphore, #tpu.memory_space<semaphore_mem>>)
      %dma_wait3A_105 = arith.constant 0 : i32
      %dma_wait3A_106 = tpu.memref_slice %arg4[%add3A_81, %dma_wait3A_105] : memref<524288x16xf32, #tpu.memory_space<hbm>> -> memref<2048x16xf32, #tpu.memory_space<hbm>>
      %dma_wait3A_107 = arith.constant 0 : i32
      %dma_wait3A_108 = tpu.memref_slice %arg4[%add3A_81, %dma_wait3A_107] : memref<524288x16xf32, #tpu.memory_space<hbm>> -> memref<2048x16xf32, #tpu.memory_space<hbm>>
      tpu.wait_dma2 semaphore(%run_scoped3A : memref<!tpu.dma_semaphore, #tpu.memory_space<semaphore_mem>>) src(%arg7 : memref<2048x16xf32, #tpu.memory_space<vmem>>) dst(%dma_wait3A_108 : memref<2048x16xf32, #tpu.memory_space<hbm>>)
      tpu.yield
    }) : () -> ()
    %dma_start3A_82 = arith.constant 14336 : i32
    %dma_start3A_83 = tpu.memref_slice %arg5[%dma_start3A_82] : memref<16384xi32, #tpu.memory_space<vmem>> -> memref<2048xi32, #tpu.memory_space<vmem>>
    %dma_start3A_84 = arith.constant 0 : i32
    %dma_start3A_85 = arith.constant 0 : i32
    %dma_start3A_86 = tpu.memref_slice %arg3[%dma_start3A_84, %dma_start3A_85] : memref<1000000x16xf32, #tpu.memory_space<hbm>> -> memref<1000000x16xf32, #tpu.memory_space<hbm>>
    tpu.enqueue_indirect_dma source(%dma_start3A_86 : memref<1000000x16xf32, #tpu.memory_space<hbm>>) target(%arg7 : memref<2048x16xf32, #tpu.memory_space<vmem>>) offsets(%dma_start3A_83 : memref<2048xi32, #tpu.memory_space<vmem>>) semaphore(%arg10 : memref<!tpu.dma_semaphore, #tpu.memory_space<semaphore_mem>>)
    %dma_wait3A_87 = arith.constant 12288 : i32
    %dma_wait3A_88 = tpu.memref_slice %arg5[%dma_wait3A_87] : memref<16384xi32, #tpu.memory_space<vmem>> -> memref<2048xi32, #tpu.memory_space<vmem>>
    %dma_wait3A_89 = arith.constant 0 : i32
    %dma_wait3A_90 = arith.constant 0 : i32
    %dma_wait3A_91 = tpu.memref_slice %arg3[%dma_wait3A_89, %dma_wait3A_90] : memref<1000000x16xf32, #tpu.memory_space<hbm>> -> memref<1000000x16xf32, #tpu.memory_space<hbm>>
    tpu.wait_indirect_dma semaphore(%arg9 : memref<!tpu.dma_semaphore, #tpu.memory_space<semaphore_mem>>) src(%dma_wait3A_91 : memref<1000000x16xf32, #tpu.memory_space<hbm>>) dst(%arg6 : memref<2048x16xf32, #tpu.memory_space<vmem>>)
    %add3A_92 = arith.constant 12288 : i32
    %add3A_93 = arith.addi %mul3A_2, %add3A_92 : i32
    "tpu.region"() ({
      %run_scoped3A = tpu.sem_alloc : memref<!tpu.dma_semaphore, #tpu.memory_space<semaphore_mem>>
      %dma_start3A_101 = arith.constant 0 : i32
      %dma_start3A_102 = tpu.memref_slice %arg4[%add3A_93, %dma_start3A_101] : memref<524288x16xf32, #tpu.memory_space<hbm>> -> memref<2048x16xf32, #tpu.memory_space<hbm>>
      %dma_start3A_103 = arith.constant 0 : i32
      %dma_start3A_104 = tpu.memref_slice %arg4[%add3A_93, %dma_start3A_103] : memref<524288x16xf32, #tpu.memory_space<hbm>> -> memref<2048x16xf32, #tpu.memory_space<hbm>>
      tpu.enqueue_dma source(%arg6 : memref<2048x16xf32, #tpu.memory_space<vmem>>) target(%dma_start3A_104 : memref<2048x16xf32, #tpu.memory_space<hbm>>) target_semaphore(%run_scoped3A : memref<!tpu.dma_semaphore, #tpu.memory_space<semaphore_mem>>)
      %dma_wait3A_105 = arith.constant 0 : i32
      %dma_wait3A_106 = tpu.memref_slice %arg4[%add3A_93, %dma_wait3A_105] : memref<524288x16xf32, #tpu.memory_space<hbm>> -> memref<2048x16xf32, #tpu.memory_space<hbm>>
      %dma_wait3A_107 = arith.constant 0 : i32
      %dma_wait3A_108 = tpu.memref_slice %arg4[%add3A_93, %dma_wait3A_107] : memref<524288x16xf32, #tpu.memory_space<hbm>> -> memref<2048x16xf32, #tpu.memory_space<hbm>>
      tpu.wait_dma2 semaphore(%run_scoped3A : memref<!tpu.dma_semaphore, #tpu.memory_space<semaphore_mem>>) src(%arg6 : memref<2048x16xf32, #tpu.memory_space<vmem>>) dst(%dma_wait3A_108 : memref<2048x16xf32, #tpu.memory_space<hbm>>)
      tpu.yield
    }) : () -> ()
    %dma_wait3A_94 = arith.constant 14336 : i32
    %dma_wait3A_95 = tpu.memref_slice %arg5[%dma_wait3A_94] : memref<16384xi32, #tpu.memory_space<vmem>> -> memref<2048xi32, #tpu.memory_space<vmem>>
    %dma_wait3A_96 = arith.constant 0 : i32
    %dma_wait3A_97 = arith.constant 0 : i32
    %dma_wait3A_98 = tpu.memref_slice %arg3[%dma_wait3A_96, %dma_wait3A_97] : memref<1000000x16xf32, #tpu.memory_space<hbm>> -> memref<1000000x16xf32, #tpu.memory_space<hbm>>
    tpu.wait_indirect_dma semaphore(%arg10 : memref<!tpu.dma_semaphore, #tpu.memory_space<semaphore_mem>>) src(%dma_wait3A_98 : memref<1000000x16xf32, #tpu.memory_space<hbm>>) dst(%arg7 : memref<2048x16xf32, #tpu.memory_space<vmem>>)
    %add3A_99 = arith.constant 14336 : i32
    %add3A_100 = arith.addi %mul3A_2, %add3A_99 : i32
    "tpu.region"() ({
      %run_scoped3A = tpu.sem_alloc : memref<!tpu.dma_semaphore, #tpu.memory_space<semaphore_mem>>
      %dma_start3A_101 = arith.constant 0 : i32
      %dma_start3A_102 = tpu.memref_slice %arg4[%add3A_100, %dma_start3A_101] : memref<524288x16xf32, #tpu.memory_space<hbm>> -> memref<2048x16xf32, #tpu.memory_space<hbm>>
      %dma_start3A_103 = arith.constant 0 : i32
      %dma_start3A_104 = tpu.memref_slice %arg4[%add3A_100, %dma_start3A_103] : memref<524288x16xf32, #tpu.memory_space<hbm>> -> memref<2048x16xf32, #tpu.memory_space<hbm>>
      tpu.enqueue_dma source(%arg7 : memref<2048x16xf32, #tpu.memory_space<vmem>>) target(%dma_start3A_104 : memref<2048x16xf32, #tpu.memory_space<hbm>>) target_semaphore(%run_scoped3A : memref<!tpu.dma_semaphore, #tpu.memory_space<semaphore_mem>>)
      %dma_wait3A_105 = arith.constant 0 : i32
      %dma_wait3A_106 = tpu.memref_slice %arg4[%add3A_100, %dma_wait3A_105] : memref<524288x16xf32, #tpu.memory_space<hbm>> -> memref<2048x16xf32, #tpu.memory_space<hbm>>
      %dma_wait3A_107 = arith.constant 0 : i32
      %dma_wait3A_108 = tpu.memref_slice %arg4[%add3A_100, %dma_wait3A_107] : memref<524288x16xf32, #tpu.memory_space<hbm>> -> memref<2048x16xf32, #tpu.memory_space<hbm>>
      tpu.wait_dma2 semaphore(%run_scoped3A : memref<!tpu.dma_semaphore, #tpu.memory_space<semaphore_mem>>) src(%arg7 : memref<2048x16xf32, #tpu.memory_space<vmem>>) dst(%dma_wait3A_108 : memref<2048x16xf32, #tpu.memory_space<hbm>>)
      tpu.yield
    }) : () -> ()
    return
  }
}

</mosaic_0001>

<sc_bundles>
// kernel: _sc_gather.3.cloned.1.call-start
scs
__scs_entry_jumppad:
0x0: {  	(pc) =	sbr.rel $0x88, $3  }
0x1: {  	(tag) =	ssettag $0x0;
	lr =	simm.s32 $0x1  }
0x2: {  	[smem:$0x3F9F] =	sst lr;
	_ =	strace $0xD0000000  }
0x3: {  	_ = 	snop  }
0x4: {  	_ = 	snop  }
0x5: {  	_ = 	snop  }
0x6: {  	_ = 	snop  }
0x7: {  	_ = 	snop  }
__scs_overlays_trampoline_lowered:
0x8: {  	[smem:$0x3FAE] =	sst s0  }
0x9: {  	[smem:$0x3FAF] =	sst s1  }
0xa: {  	[smem:$0x3FB0] =	sst s2  }
0xb: {  	[smem:$0x3FB1] =	sst s3  }
0xc: {  	[smem:$0x3FB2] =	sst s4  }
0xd: {  	[smem:$0x3FB3] =	sst s5  }
0xe: {  	[smem:$0x3FB4] =	sst s6  }
0xf: {  	[smem:$0x3FB5] =	sst s7  }
0x10: {  	[smem:$0x3FB6] =	sst s8  }
0x11: {  	[smem:$0x3FB7] =	sst s9;
	s0 =	simm.s32 @!p0 $0x0  }
0x12: {  	s1 =	sld [smem:$0x3F9D];
	s0 =	simm.s32 @p0 $0x1  }
0x13: {  	[smem:$0x3FB8] =	sst s0;
	s0 =	simm.s32 @!p1 $0x0  }
0x14: {  	s2 =	sld [smem:$0x3F9C];
	s0 =	simm.s32 @p1 $0x1  }
0x15: {  	[smem:$0x3FB9] =	sst s0;
	s0 =	simm.s32 @!p2 $0x0  }
0x16: {  	s3 =	sld [smem:$0x3FDB];
	s0 =	simm.s32 @p2 $0x1  }
0x17: {  	s4 =	simm.s32 $0x1BF5;
	[smem:$0x3FBB] =	sst s0  }
0x18: {  	s0 =	sld [smem:$0x3F9E];
	_ =	swait.ge [sflag:s4], $0x0  }
0x19: {  	s7 =	sld [smem:$0x3F9F]  }
0x1a: {  	s8 =	sadd.s32 $0xFFFFE003, lr  }
0x1b: {  	s9 =	sadd.s32 $0xFFFFFEF7, lr;
	s5 =	simm.s32 $0xFFFFFFFF;
	p2 =	slt.u32 s8, $0xFFFFF086  }
0x1c: {  	p1 =	slt.u32 s9, $0xF7A;
	s5 =	simm.s32 @!p2 $0x0  }
0x1d: {  	s5 =	simm.s32 @p1 $0x1;
	p0 =	seq.s32 s7, s2  }
0x1e: {  	s7 =	smul.u32 @!p0 $0xF7A, s2;
	p2 =	seq.s32 @!p0 s5, $0x0  }
0x1f: {  	s9 =	smul.u32 $0xF7A, s1;
	s8 =	simm.s32 @!p0 $0x1BF5;
	p2 =	por !p2, p0  }
0x20: {  	[sflag:s8] =	ssyncset.s32 @!p0 $0xFFFFF086;
	s6 =	sadd.s32 @!p0 s3, s7;
	s7 =	simm.s32 @!p0 $0x108  }
0x21: {  	s3 =	sadd.s32 s3, s9;
	s6 =	sadd.s32 @!p0 $0x88, s6;
	s7 =	simm.s32 @p2 $0x1082  }
0x22: {  	[simem:s7], [sflag:s8] =	dma.local @!p0 [hbm:s6], $0xF7A  }
0x23: {  	s9 =	sor.u32 $0xD0000000, s2;
	s6 =	simm.s32 $0x108;
	_ =	swait.ge @!p0 [sflag:s8], $0x0  }
0x24: {  	s3 =	sadd.s32 $0x88, s3;
	s6 =	simm.s32 @!p1 $0x1082;
	[sflag:s4] =	ssyncset.s32 $0xFFFFF086  }
0x25: {  	[simem:s6], [sflag:s4] =	dma.local [hbm:s3], $0xF7A  }
0x26: {  	[smem:$0x3F9F] =	sst s1;
	(tag) =	ssettag s2;
	_ =	strace s9  }
0x27: {  	s1 =	sld [smem:$0x3FAF]  }
0x28: {  	s2 =	sld [smem:$0x3FB0]  }
0x29: {  	s4 =	sld [smem:$0x3FB2]  }
0x2a: {  	p0 =	seq.s32 s5, $0x0;
	s5 =	sld [smem:$0x3FB3]  }
0x2b: {  	s6 =	sld [smem:$0x3FB4]  }
0x2c: {  	s7 =	sld [smem:$0x3FB5]  }
0x2d: {  	s3 =	simm.s32 $0x108;
	s8 =	sld [smem:$0x3FB6]  }
0x2e: {  	s3 =	simm.s32 @!p0 $0x1082;
	s9 =	sld [smem:$0x3FB7]  }
0x2f: {  	lr =	sadd.s32 s0, s3;
	s0 =	sld [smem:$0x3FAE]  }
0x30: {  	s3 =	sld [smem:$0x3FB1]  }
0x31: {  	[smem:$0x3FBA] =	sst s10  }
0x32: {  	s10 =	sld [smem:$0x3FB8];
	_ =	sdelay $0x3  }
0x33: {  	p0 =	seq.s32 s10, $0x1;
	s10 =	sld [smem:$0x3FBA];
	_ =	sdelay $0x3  }
0x34: {  	[smem:$0x3FBA] =	sst s10  }
0x35: {  	s10 =	sld [smem:$0x3FB9];
	_ =	sdelay $0x3  }
0x36: {  	p1 =	seq.s32 s10, $0x1;
	s10 =	sld [smem:$0x3FBA];
	_ =	sdelay $0x3  }
0x37: {  	[smem:$0x3FBA] =	sst s10  }
0x38: {  	s10 =	sld [smem:$0x3FBB]  }
0x39: {  	_ = 	snop;
	(pc) =	sbr.ind lr, $3  }
0x3a: {  	_ = 	snop  }
0x3b: {  	_ = 	snop  }
0x3c: {  	p2 =	seq.s32 s10, $0x1;
	s10 =	sld [smem:$0x3FBA]  }
0x3d: {  	_ =	shalt  }
0x3e: {  	_ =	shalt  }
0x3f: {  	_ =	shalt  }
0x40: {  	_ =	shalt  }
0x41: {  	_ =	shalt  }
0x42: {  	_ =	shalt  }
0x43: {  	_ =	shalt  }
0x44: {  	_ =	shalt  }
0x45: {  	_ =	shalt  }
0x46: {  	_ =	shalt  }
0x47: {  	_ =	shalt  }
0x48: {  	_ =	shalt  }
0x49: {  	_ =	shalt  }
0x4a: {  	_ =	shalt  }
0x4b: {  	_ =	shalt  }
0x4c: {  	_ =	shalt  }
0x4d: {  	_ =	shalt  }
0x4e: {  	_ =	shalt  }
0x4f: {  	_ =	shalt  }
0x50: {  	_ =	shalt  }
0x51: {  	_ =	shalt  }
0x52: {  	_ =	shalt  }
0x53: {  	_ =	shalt  }
0x54: {  	_ =	shalt  }
0x55: {  	_ =	shalt  }
0x56: {  	_ =	shalt  }
0x57: {  	_ =	shalt  }
0x58: {  	_ =	shalt  }
0x59: {  	_ =	shalt  }
0x5a: {  	_ =	shalt  }
0x5b: {  	_ =	shalt  }
0x5c: {  	_ =	shalt  }
0x5d: {  	_ =	shalt  }
0x5e: {  	_ =	shalt  }
0x5f: {  	_ =	shalt  }
0x60: {  	_ =	shalt  }
0x61: {  	_ =	shalt  }
0x62: {  	_ =	shalt  }
0x63: {  	_ =	shalt  }
0x64: {  	_ =	shalt  }
0x65: {  	_ =	shalt  }
0x66: {  	_ =	shalt  }
0x67: {  	_ =	shalt  }
0x68: {  	_ =	shalt  }
0x69: {  	_ =	shalt  }
0x6a: {  	_ =	shalt  }
0x6b: {  	_ =	shalt  }
0x6c: {  	_ =	shalt  }
0x6d: {  	_ =	shalt  }
0x6e: {  	_ =	shalt  }
0x6f: {  	_ =	shalt  }
0x70: {  	_ =	shalt  }
0x71: {  	_ =	shalt  }
0x72: {  	_ =	shalt  }
0x73: {  	_ =	shalt  }
0x74: {  	_ =	shalt  }
0x75: {  	_ =	shalt  }
0x76: {  	_ =	shalt  }
0x77: {  	_ =	shalt  }
0x78: {  	_ =	shalt  }
0x79: {  	_ =	shalt  }
0x7a: {  	_ =	shalt  }
0x7b: {  	_ =	shalt  }
0x7c: {  	_ =	shalt  }
0x7d: {  	_ =	shalt  }
0x7e: {  	_ =	shalt  }
0x7f: {  	_ =	shalt  }
0x80: {  	_ =	shalt  }
0x81: {  	_ =	shalt  }
0x82: {  	_ =	shalt  }
0x83: {  	_ =	shalt  }
0x84: {  	_ =	shalt  }
0x85: {  	_ =	shalt  }
0x86: {  	_ =	shalt  }
0x87: {  	_ =	shalt  }
.Lfunc_end0:
.L_simem_size_0:
called_computation.1_lowered:
.L_overlay_start_0:
0x88: {  	s2 =	sld [smem:$0x3FD9]  }
0x89: {  	s3 =	sld [smem:$0x3FFE];
	_ =	sdelay $0x1  }
0x8a: {  	s1 =	srdreg.scid  }
0x8b: {  	s0 =	sand.u32 $0x1, s1  }
0x8c: {  	s17 =	sshll.u32 s0, $0xA;
	s2 =	sadd.s32 s3, s2  }
0x8d: {  	s2 =	sadd.s32 s2, s17  }
0x8e: {  	[smem:$0x3FC6] =	sst s2  }
0x8f: {  	_ = 	snop  }
0x90: {  	s2 =	sld [smem:$0x3FC9]  }
0x91: {  	s18 =	sld [smem:$0x3FD0];
	(tm) =	ssettm $0x1  }
0x92: {  	s4 =	sld [smem:$0x3FFB];
	_ =	sdelay $0x3  }
0x93: {  	_ =	strace s4  }
0x94: {  	s4 =	sld [smem:$0x3FFC];
	_ =	sdelay $0x3  }
0x95: {  	_ =	strace s4  }
0x96: {  	s4 =	sld [smem:$0x3FFD];
	_ =	sdelay $0x3  }
0x97: {  	_ =	strace s4  }
0x98: {  	_ =	strace $0x8FFFFFFF  }
0x99: {  	s19 =	sld [smem:$0x3FDB];
	_ =	sdelay $0x1  }
0x9a: {  	s5 =	simm.s32 $_scs_section_size  }
0x9b: {  	s6 =	simm.s32 $_size__tile_overlayer_lowered;
	s7 =	simm.s32 $_tile_overlayer_lowered  }
0x9c: {  	s22 =	simm.s32 $0x1BFF;
	s21 =	sshll.u32 s7, $0x1;
	s4 =	sadd.s32 s5, s19  }
0x9d: {  	s8 =	simm.s32 $0x0;
	s20 =	sshll.u32 s6, $0x1;
	s6 =	sadd.s32 s21, s4  }
0x9e: {  	[timem:s8], [sflag:s22] =	dma.local [hbm:s6], s20  }
0x9f: {  	_ =	swait.ge [sflag:s22], s20  }
0xa0: {  	s5 =	ssub.s32 $0x0, s20;
	[sflag:s22] =	ssyncset.done $0x0  }
0xa1: {  	[sflag:s22] =	ssyncadd.s32 s5;
	_ =	sdelay $0x1  }
0xa2: {  	s23 =	simm.s32 $0x1B8B  }
0xa3: {  	_ =	swait.ge [sflag:s23], $0x1  }
0xa4: {  	[sflag:s23] =	ssyncset.done $0x0  }
0xa5: {  	s25 =	simm.s32 $0x1B8E;
	s24 =	sld [smem:$0x3FFE];
	[sflag:s23] =	ssyncadd.s32 $0xFFFFFFFF  }
0xa6: {  	s26 =	simm.s32 $execute0_lowered;
	[smem:$0x3FD2] =	sst s25  }
0xa7: {  	s6 =	sshll.u32 s26, $0x1;
	_ =	strace $0x80000046;
	[dreg:$0x1] =	wrdreg $0xFFFFFFFF  }
0xa8: {  	s28 =	simm.s32 $_size_execute0_lowered;
	s4 =	sadd.s32 s4, s6;
	[dreg:$0x0] =	wrdreg $0x0  }
0xa9: {  	s6 =	sshll.u32 s28, $0x1;
	[dreg:$0x2] =	wrdreg s4  }
0xaa: {  	[dreg:$0x3] =	wrdreg s6  }
0xab: {  	[dreg:$0x4] =	wrdreg $0xC0  }
0xac: {  	_ =	task [dreg:s8], $0x5FFFF  }
0xad: {  	[dreg:$0x1] =	wrdreg $0xFFFFFFFF  }
0xae: {  	[dreg:$0x0] =	wrdreg $0x60  }
0xaf: {  	[dreg:$0x2] =	wrdreg s2  }
0xb0: {  	[dreg:$0x3] =	wrdreg s24  }
0xb1: {  	[dreg:$0x4] =	wrdreg s18  }
0xb2: {  	[dreg:$0x5] =	wrdreg $0x9  }
0xb3: {  	_ =	task.clear_ibuf [dreg:s8], $0x6FFFF;
	_ =	strace $0x90000046  }
0xb4: {  	s29 =	simm.s32 $0x9;
	_ =	strace $0x80000048  }
0xb5: {  	_ =	swait.ge [sflag:s29], $0x1  }
0xb6: {  	[sflag:s29] =	ssyncadd.s32 $0xFFFFFFFF  }
0xb7: {  	_ =	strace $0x90000048  }
0xb8: {  	_ =	sfence  }
0xb9: {  	s30 =	sld [smem:$0x0];
	_ =	sdelay $0x2  }
0xba: {  	s31 =	sshll.u32 s1, $0xD;
	s1 =	sshrl.u32 s1, $0x2  }
0xbb: {  	s3 =	sand.u32 $0x4000, s31;
	s1 =	sadd.s32 s1, s30  }
0xbc: {  	s0 =	sor.u32 s3, s0;
	s1 =	sshll.u32 s1, $0x11  }
0xbd: {  	s0 =	sor.u32 s1, s0  }
0xbe: {  	s0 =	sadd.s32 $0x8F2B, s0  }
0xbf: {  	[sflag:s0] =	ssyncadd.remote.s32 $0x1  }
0xc0: {  	_ =	sfence.sel $0xFFFF  }
0xc1: {  	[dreg:$0x0] =	wrdreg $0xFFFFFFFF;
	(pc) =	sbr.abs _section_cstart, $3  }
0xc2: {  	[dreg:$0x1] =	wrdreg $0xFFFFFFFF  }
0xc3: {  	_ =	task.clear_ibuf [dreg:s8], $0x2FFFF;
	_ =	strace $0x9FFFFFFF  }
0xc4: {  	(tm) =	ssettm $0x7FFFFFFF  }
0xc5: {  	_ =	shalt  }
tec
execute0_lowered:
.L_overlay_start_1:
0x0: {  	(tag) =	ssettag $0x1  }
0x1: {  	s3 =	rddreg [dreg:$0x0];
	s1 =	srdreg.scid  }
0x2: {  	s5 =	rddreg [dreg:$0x1];
	s0 =	stileid.u32;
	s25 =	sand.u32 $0x1, s1  }
0x3: {  	s10 =	rddreg [dreg:$0x2];
	s4 =	sshll.u32 s0, $0xF;
	s6 =	sshll.u32 s25, $0xE  }
0x4: {  	s2 =	simm.s32 $0x0;
	s1 =	rddreg [dreg:$0x3];
	s11 =	sor.u32 s6, s4  }
0x5: {  	[smem:$0x7FF] =	sst s2;
	s4 =	sshrl.u32 s11, $0x3  }
0x6: {  	_ =	strace $0x80000047;
	s3 =	sadd.s32 s3, s4;
	s4 =	simm.s32 $0x1  }
0x7: {  	[tilespmem:s2], [sflag:$0x1] =	stream.linear.gather [hbm4b:s3+s2], $0x4000, $0x38;
	[tilespmem:$0x14000] =	vst v63  }
0x8: {  	_ =	swait.ge [sflag:s4], $0x4000  }
0x9: {  	s7 =	simm.s32 $0x4000;
	[sflag:s4] =	ssyncset.done $0x0  }
0xa: {  	s5 =	sadd.s32 $0xF42C00, s5;
	s6 =	simm.s32 $0x800;
	[sflag:s4] =	ssyncadd.s32 $0xFFFFC000  }
0xb: {  	[tilespmem:s7], [sflag:$0x2] =	stream.indirect.gather [hbm4b:s5+s6], $0x10, s2, s6, $0xb8;
	[tilespmem:$0x14000] =	vst v63  }
0xc: {  	s8 =	simm.s32 $0xC000;
	s9 =	simm.s32 $0x2  }
0xd: {  	[tilespmem:s8], [sflag:$0x3] =	stream.indirect.gather [hbm4b:s5+s6], $0x10, s6, s6, $0xb8;
	[tilespmem:$0x14000] =	vst v63  }
0xe: {  	_ =	swait.ge [sflag:s9], $0x8000  }
0xf: {  	s11 =	sshll.u32 s11, $0x1;
	[sflag:s9] =	ssyncset.done $0x0  }
0x10: {  	s11 =	sadd.s32 s10, s11;
	s10 =	simm.s32 $0x4;
	[sflag:s9] =	ssyncadd.s32 $0xFFFF8000  }
0x11: {  	[hbm4b:s11+s2] =	stream.linear.scatter [tilespmem:s7], [sflag:$0x4], $0x8000, $0x38;
	[tilespmem:$0x14000] =	vst v63  }
0x12: {  	_ =	swait.ge [sflag:s10], $0x8000  }
0x13: {  	[sflag:s10] =	ssyncset.done $0x0  }
0x14: {  	s12 =	simm.s32 $0x1000;
	s13 =	simm.s32 $0x3;
	[sflag:s10] =	ssyncadd.s32 $0xFFFF8000  }
0x15: {  	[tilespmem:s7], [sflag:$0x2] =	stream.indirect.gather [hbm4b:s5+s6], $0x10, s12, s6, $0xb8;
	[tilespmem:$0x14000] =	vst v63  }
0x16: {  	_ =	swait.ge [sflag:s13], $0x8000  }
0x17: {  	[sflag:s13] =	ssyncset.done $0x0  }
0x18: {  	s14 =	sadd.s32 $0x1000, s11;
	[sflag:s13] =	ssyncadd.s32 $0xFFFF8000  }
0x19: {  	[hbm4b:s14+s2] =	stream.linear.scatter [tilespmem:s8], [sflag:$0x4], $0x8000, $0x38;
	[tilespmem:$0x14000] =	vst v63  }
0x1a: {  	_ =	swait.ge [sflag:s10], $0x8000  }
0x1b: {  	[sflag:s10] =	ssyncset.done $0x0  }
0x1c: {  	s15 =	simm.s32 $0x1800;
	[sflag:s10] =	ssyncadd.s32 $0xFFFF8000  }
0x1d: {  	[tilespmem:s8], [sflag:$0x3] =	stream.indirect.gather [hbm4b:s5+s6], $0x10, s15, s6, $0xb8;
	[tilespmem:$0x14000] =	vst v63  }
0x1e: {  	_ =	swait.ge [sflag:s9], $0x8000  }
0x1f: {  	[sflag:s9] =	ssyncset.done $0x0  }
0x20: {  	s16 =	sadd.s32 $0x2000, s11;
	[sflag:s9] =	ssyncadd.s32 $0xFFFF8000  }
0x21: {  	[hbm4b:s16+s2] =	stream.linear.scatter [tilespmem:s7], [sflag:$0x4], $0x8000, $0x38;
	[tilespmem:$0x14000] =	vst v63  }
0x22: {  	_ =	swait.ge [sflag:s10], $0x8000  }
0x23: {  	[sflag:s10] =	ssyncset.done $0x0  }
0x24: {  	s17 =	simm.s32 $0x2000;
	[sflag:s10] =	ssyncadd.s32 $0xFFFF8000  }
0x25: {  	[tilespmem:s7], [sflag:$0x2] =	stream.indirect.gather [hbm4b:s5+s6], $0x10, s17, s6, $0xb8;
	[tilespmem:$0x14000] =	vst v63  }
0x26: {  	_ =	swait.ge [sflag:s13], $0x8000  }
0x27: {  	[sflag:s13] =	ssyncset.done $0x0  }
0x28: {  	s18 =	sadd.s32 $0x3000, s11;
	[sflag:s13] =	ssyncadd.s32 $0xFFFF8000  }
0x29: {  	[hbm4b:s18+s2] =	stream.linear.scatter [tilespmem:s8], [sflag:$0x4], $0x8000, $0x38;
	[tilespmem:$0x14000] =	vst v63  }
0x2a: {  	_ =	swait.ge [sflag:s10], $0x8000  }
0x2b: {  	[sflag:s10] =	ssyncset.done $0x0  }
0x2c: {  	s19 =	simm.s32 $0x2800;
	[sflag:s10] =	ssyncadd.s32 $0xFFFF8000  }
0x2d: {  	[tilespmem:s8], [sflag:$0x3] =	stream.indirect.gather [hbm4b:s5+s6], $0x10, s19, s6, $0xb8;
	[tilespmem:$0x14000] =	vst v63  }
0x2e: {  	_ =	swait.ge [sflag:s9], $0x8000  }
0x2f: {  	[sflag:s9] =	ssyncset.done $0x0  }
0x30: {  	s20 =	sadd.s32 $0x4000, s11;
	[sflag:s9] =	ssyncadd.s32 $0xFFFF8000  }
0x31: {  	[hbm4b:s20+s2] =	stream.linear.scatter [tilespmem:s7], [sflag:$0x4], $0x8000, $0x38;
	[tilespmem:$0x14000] =	vst v63  }
0x32: {  	_ =	swait.ge [sflag:s10], $0x8000  }
0x33: {  	[sflag:s10] =	ssyncset.done $0x0  }
0x34: {  	s21 =	simm.s32 $0x3000;
	[sflag:s10] =	ssyncadd.s32 $0xFFFF8000  }
0x35: {  	[tilespmem:s7], [sflag:$0x2] =	stream.indirect.gather [hbm4b:s5+s6], $0x10, s21, s6, $0xb8;
	[tilespmem:$0x14000] =	vst v63  }
0x36: {  	_ =	swait.ge [sflag:s13], $0x8000  }
0x37: {  	[sflag:s13] =	ssyncset.done $0x0  }
0x38: {  	s22 =	sadd.s32 $0x5000, s11;
	[sflag:s13] =	ssyncadd.s32 $0xFFFF8000  }
0x39: {  	[hbm4b:s22+s2] =	stream.linear.scatter [tilespmem:s8], [sflag:$0x4], $0x8000, $0x38;
	[tilespmem:$0x14000] =	vst v63  }
0x3a: {  	_ =	swait.ge [sflag:s10], $0x8000  }
0x3b: {  	[sflag:s10] =	ssyncset.done $0x0  }
0x3c: {  	s23 =	simm.s32 $0x3800;
	[sflag:s10] =	ssyncadd.s32 $0xFFFF8000  }
0x3d: {  	[tilespmem:s8], [sflag:$0x3] =	stream.indirect.gather [hbm4b:s5+s6], $0x10, s23, s6, $0xb8;
	[tilespmem:$0x14000] =	vst v63  }
0x3e: {  	_ =	swait.ge [sflag:s9], $0x8000  }
0x3f: {  	[sflag:s9] =	ssyncset.done $0x0  }
0x40: {  	s25 =	ssub.s32 $0x2, s25;
	s24 =	sadd.s32 $0x6000, s11;
	[sflag:s9] =	ssyncadd.s32 $0xFFFF8000  }
0x41: {  	[hbm4b:s24+s2] =	stream.linear.scatter [tilespmem:s7], [sflag:$0x4], $0x8000, $0x38;
	[tilespmem:$0x14000] =	vst v63  }
0x42: {  	s26 =	sshrl.u32 s25, $0x1;
	_ =	swait.ge [sflag:s10], $0x8000  }
0x43: {  	s25 =	ssub.s32 s25, s26;
	[sflag:s10] =	ssyncset.done $0x0  }
0x44: {  	s26 =	smax.u32 s25, $0x1;
	[sflag:s10] =	ssyncadd.s32 $0xFFFF8000  }
0x45: {  	p0 =	sne.s32 s26, $0x1;
	_ =	swait.ge [sflag:s13], $0x8000  }
.Ltmp0:
0x46: {  	[sflag:s13] =	ssyncset.done $0x0;
	(pc) =	sbr.rel @!p0 .LBB2_2-.Ltmp0, $4  }
0x47: {  	s25 =	sadd.s32 $0x7000, s11;
	[sflag:s13] =	ssyncadd.s32 $0xFFFF8000  }
0x48: {  	[hbm4b:s25+s2] =	stream.linear.scatter [tilespmem:s8], [sflag:$0x4], $0x8000, $0x38;
	[tilespmem:$0x14000] =	vst v63  }
0x49: {  	_ =	swait.ge [sflag:s10], $0x8000  }
0x4a: {  	s26 =	sadd.s32 $0xFFFFFFFF, s26;
	[sflag:s10] =	ssyncset.done $0x0  }
.LBB2_1:
0x4b: {  	p0 =	sne.s32 s26, $0x1;
	s26 =	sadd.s32 $0xFFFFFFFF, s26;
	[sflag:s10] =	ssyncadd.s32 $0xFFFF8000  }
0x4c: {  	[tilespmem:s2], [sflag:$0x1] =	stream.linear.gather [hbm4b:s3+s2], $0x4000, $0x38;
	[tilespmem:$0x14000] =	vst v63  }
0x4d: {  	_ =	swait.ge [sflag:s4], $0x4000  }
0x4e: {  	[sflag:s4] =	ssyncset.done $0x0  }
0x4f: {  	[sflag:s4] =	ssyncadd.s32 $0xFFFFC000  }
0x50: {  	[tilespmem:s7], [sflag:$0x2] =	stream.indirect.gather [hbm4b:s5+s6], $0x10, s2, s6, $0xb8;
	[tilespmem:$0x14000] =	vst v63  }
0x51: {  	_ = 	snop  }
0x52: {  	[tilespmem:s8], [sflag:$0x3] =	stream.indirect.gather [hbm4b:s5+s6], $0x10, s6, s6, $0xb8;
	[tilespmem:$0x14000] =	vst v63  }
0x53: {  	_ =	swait.ge [sflag:s9], $0x8000  }
0x54: {  	[sflag:s9] =	ssyncset.done $0x0  }
0x55: {  	[sflag:s9] =	ssyncadd.s32 $0xFFFF8000  }
0x56: {  	[hbm4b:s11+s2] =	stream.linear.scatter [tilespmem:s7], [sflag:$0x4], $0x8000, $0x38;
	[tilespmem:$0x14000] =	vst v63  }
0x57: {  	_ =	swait.ge [sflag:s10], $0x8000  }
0x58: {  	[sflag:s10] =	ssyncset.done $0x0  }
0x59: {  	[sflag:s10] =	ssyncadd.s32 $0xFFFF8000  }
0x5a: {  	[tilespmem:s7], [sflag:$0x2] =	stream.indirect.gather [hbm4b:s5+s6], $0x10, s12, s6, $0xb8;
	[tilespmem:$0x14000] =	vst v63  }
0x5b: {  	_ =	swait.ge [sflag:s13], $0x8000  }
0x5c: {  	[sflag:s13] =	ssyncset.done $0x0  }
0x5d: {  	[sflag:s13] =	ssyncadd.s32 $0xFFFF8000  }
0x5e: {  	[hbm4b:s14+s2] =	stream.linear.scatter [tilespmem:s8], [sflag:$0x4], $0x8000, $0x38;
	[tilespmem:$0x14000] =	vst v63  }
0x5f: {  	_ =	swait.ge [sflag:s10], $0x8000  }
0x60: {  	[sflag:s10] =	ssyncset.done $0x0  }
0x61: {  	[sflag:s10] =	ssyncadd.s32 $0xFFFF8000  }
0x62: {  	[tilespmem:s8], [sflag:$0x3] =	stream.indirect.gather [hbm4b:s5+s6], $0x10, s15, s6, $0xb8;
	[tilespmem:$0x14000] =	vst v63  }
0x63: {  	_ =	swait.ge [sflag:s9], $0x8000  }
0x64: {  	[sflag:s9] =	ssyncset.done $0x0  }
0x65: {  	[sflag:s9] =	ssyncadd.s32 $0xFFFF8000  }
0x66: {  	[hbm4b:s16+s2] =	stream.linear.scatter [tilespmem:s7], [sflag:$0x4], $0x8000, $0x38;
	[tilespmem:$0x14000] =	vst v63  }
0x67: {  	_ =	swait.ge [sflag:s10], $0x8000  }
0x68: {  	[sflag:s10] =	ssyncset.done $0x0  }
0x69: {  	[sflag:s10] =	ssyncadd.s32 $0xFFFF8000  }
0x6a: {  	[tilespmem:s7], [sflag:$0x2] =	stream.indirect.gather [hbm4b:s5+s6], $0x10, s17, s6, $0xb8;
	[tilespmem:$0x14000] =	vst v63  }
0x6b: {  	_ =	swait.ge [sflag:s13], $0x8000  }
0x6c: {  	[sflag:s13] =	ssyncset.done $0x0  }
0x6d: {  	[sflag:s13] =	ssyncadd.s32 $0xFFFF8000  }
0x6e: {  	[hbm4b:s18+s2] =	stream.linear.scatter [tilespmem:s8], [sflag:$0x4], $0x8000, $0x38;
	[tilespmem:$0x14000] =	vst v63  }
0x6f: {  	_ =	swait.ge [sflag:s10], $0x8000  }
0x70: {  	[sflag:s10] =	ssyncset.done $0x0  }
0x71: {  	[sflag:s10] =	ssyncadd.s32 $0xFFFF8000  }
0x72: {  	[tilespmem:s8], [sflag:$0x3] =	stream.indirect.gather [hbm4b:s5+s6], $0x10, s19, s6, $0xb8;
	[tilespmem:$0x14000] =	vst v63  }
0x73: {  	_ =	swait.ge [sflag:s9], $0x8000  }
0x74: {  	[sflag:s9] =	ssyncset.done $0x0  }
0x75: {  	[sflag:s9] =	ssyncadd.s32 $0xFFFF8000  }
0x76: {  	[hbm4b:s20+s2] =	stream.linear.scatter [tilespmem:s7], [sflag:$0x4], $0x8000, $0x38;
	[tilespmem:$0x14000] =	vst v63  }
0x77: {  	_ =	swait.ge [sflag:s10], $0x8000  }
0x78: {  	[sflag:s10] =	ssyncset.done $0x0  }
0x79: {  	[sflag:s10] =	ssyncadd.s32 $0xFFFF8000  }
0x7a: {  	[tilespmem:s7], [sflag:$0x2] =	stream.indirect.gather [hbm4b:s5+s6], $0x10, s21, s6, $0xb8;
	[tilespmem:$0x14000] =	vst v63  }
0x7b: {  	_ =	swait.ge [sflag:s13], $0x8000  }
0x7c: {  	[sflag:s13] =	ssyncset.done $0x0  }
0x7d: {  	[sflag:s13] =	ssyncadd.s32 $0xFFFF8000  }
0x7e: {  	[hbm4b:s22+s2] =	stream.linear.scatter [tilespmem:s8], [sflag:$0x4], $0x8000, $0x38;
	[tilespmem:$0x14000] =	vst v63  }
0x7f: {  	_ =	swait.ge [sflag:s10], $0x8000  }
0x80: {  	[sflag:s10] =	ssyncset.done $0x0  }
0x81: {  	[sflag:s10] =	ssyncadd.s32 $0xFFFF8000  }
0x82: {  	[tilespmem:s8], [sflag:$0x3] =	stream.indirect.gather [hbm4b:s5+s6], $0x10, s23, s6, $0xb8;
	[tilespmem:$0x14000] =	vst v63  }
0x83: {  	_ =	swait.ge [sflag:s9], $0x8000  }
0x84: {  	[sflag:s9] =	ssyncset.done $0x0  }
0x85: {  	[sflag:s9] =	ssyncadd.s32 $0xFFFF8000  }
0x86: {  	[hbm4b:s24+s2] =	stream.linear.scatter [tilespmem:s7], [sflag:$0x4], $0x8000, $0x38;
	[tilespmem:$0x14000] =	vst v63  }
0x87: {  	_ =	swait.ge [sflag:s10], $0x8000  }
0x88: {  	[sflag:s10] =	ssyncset.done $0x0  }
0x89: {  	[sflag:s10] =	ssyncadd.s32 $0xFFFF8000  }
0x8a: {  	_ =	swait.ge [sflag:s13], $0x8000  }
.Ltmp1:
0x8b: {  	[sflag:s13] =	ssyncset.done $0x0;
	(pc) =	sbr.rel @p0 .LBB2_1-.Ltmp1, $4  }
0x8c: {  	[sflag:s13] =	ssyncadd.s32 $0xFFFF8000  }
0x8d: {  	[hbm4b:s25+s2] =	stream.linear.scatter [tilespmem:s8], [sflag:$0x4], $0x8000, $0x38;
	[tilespmem:$0x14000] =	vst v63  }
0x8e: {  	_ =	swait.ge [sflag:s10], $0x8000  }
0x8f: {  	[sflag:s10] =	ssyncset.done $0x0  }
.LBB2_2:
0x90: {  	[sflag:s10] =	ssyncadd.s32 $0xFFFF8000  }
0x91: {  	_ =	sfence.sel $0x180000  }
0x92: {  	[bflag:$0x0] =	sbarrier.arrive $0xFFFF  }
0x93: {  	p0 =	sne.s32 s0, $0x0;
	_ =	strace $0x90000047  }
0x94: {  	s0 =	sadd.s32 @!p0 $0x100000, s1;
	[bflag:$0x2] =	sbarrier.arrive $0xFFFF  }
0x95: {  	[sflag:s0] =	ssyncadd.tile.s32 @!p0 $0x1;
	_ =	shalt  }
.Lfunc_end2:
_tile_overlayer_lowered:
.L_overlay_start_2:
0x96: {  	(tag) =	ssettag $0x2  }
0x97: {  	s0 =	rddreg [dreg:$0x0];
	s2 =	stileid.u32  }
0x98: {  	s1 =	rddreg [dreg:$0x1];
	p0 =	sne.s32 s2, $0x0  }
0x99: {  	s3 =	rddreg [dreg:$0x2];
	[bflag:$0x3] =	sbarrier.arrive $0xFFFF;
	s2 =	simm.s32 @!p0 $0x1C04  }
0x9a: {  	[timem:s3], [sflag:s2] =	dma.local @!p0 [hbm:s0], s1  }
0x9b: {  	s0 =	simm.s32 @!p0 $0x4  }
0x9c: {  	_ =	swait.ge @!p0 [sflag:s0], s1  }
0x9d: {  	s1 =	ssub.s32 @!p0 $0x0, s1;
	[sflag:s0] =	ssyncset.done @!p0 $0x0  }
0x9e: {  	[sflag:s0] =	ssyncadd.s32 @!p0 s1  }
0x9f: {  	[bflag:$0x3] =	sbarrier.arrive $0xFFFF  }
0xa0: {  	_ =	shalt  }

// kernel: sparse-core-data-format-call.cloned.1.call-start
scs
called_computation_lowered:
.L_overlay_start_0:
0x0: {  	s2 =	sld [smem:$0x3FD9]  }
0x1: {  	s3 =	sld [smem:$0x3FFE];
	_ =	sdelay $0x1  }
0x2: {  	s1 =	srdreg.scid  }
0x3: {  	s0 =	sand.u32 $0x1, s1  }
0x4: {  	s18 =	sshll.u32 s0, $0xA;
	s2 =	sadd.s32 s3, s2  }
0x5: {  	s2 =	sadd.s32 s2, s18  }
0x6: {  	[smem:$0x3FC6] =	sst s2  }
0x7: {  	_ = 	snop  }
0x8: {  	s2 =	sld [smem:$0x3FD0];
	(tm) =	ssettm $0x1  }
0x9: {  	s19 =	sld [smem:$0x3FFB];
	_ =	sdelay $0x3  }
0xa: {  	_ =	strace s19  }
0xb: {  	s3 =	sld [smem:$0x3FFC];
	_ =	sdelay $0x3  }
0xc: {  	_ =	strace s3  }
0xd: {  	s3 =	sld [smem:$0x3FFD];
	_ =	sdelay $0x3  }
0xe: {  	_ =	strace s3  }
0xf: {  	_ =	strace $0x8FFFFFFF  }
0x10: {  	s20 =	sld [smem:$0x3FDB];
	_ =	sdelay $0x1  }
0x11: {  	s4 =	simm.s32 $_scs_section_size  }
0x12: {  	s5 =	simm.s32 $_size__tile_overlayer_lowered;
	s6 =	simm.s32 $_tile_overlayer_lowered  }
0x13: {  	s23 =	simm.s32 $0x1BFF;
	s22 =	sshll.u32 s6, $0x1;
	s3 =	sadd.s32 s4, s20  }
0x14: {  	s7 =	simm.s32 $0x0;
	s21 =	sshll.u32 s5, $0x1;
	s5 =	sadd.s32 s22, s3  }
0x15: {  	[timem:s7], [sflag:s23] =	dma.local [hbm:s5], s21  }
0x16: {  	_ =	swait.ge [sflag:s23], s21  }
0x17: {  	s4 =	ssub.s32 $0x0, s21;
	[sflag:s23] =	ssyncset.done $0x0  }
0x18: {  	[sflag:s23] =	ssyncadd.s32 s4;
	_ =	sdelay $0x1  }
0x19: {  	s24 =	simm.s32 $0x1B8B  }
0x1a: {  	_ =	swait.ge [sflag:s24], $0x1  }
0x1b: {  	[sflag:s24] =	ssyncset.done $0x0  }
0x1c: {  	s26 =	simm.s32 $0x1B8E;
	s25 =	sld [smem:$0x3FFE];
	[sflag:s24] =	ssyncadd.s32 $0xFFFFFFFF  }
0x1d: {  	s27 =	simm.s32 $execute0_lowered;
	[smem:$0x3FD2] =	sst s26  }
0x1e: {  	s5 =	sshll.u32 s27, $0x1;
	_ =	strace $0x80000049;
	[dreg:$0x1] =	wrdreg $0xFFFFFFFF  }
0x1f: {  	s28 =	simm.s32 $_size_execute0_lowered;
	s3 =	sadd.s32 s3, s5;
	[dreg:$0x0] =	wrdreg $0x0  }
0x20: {  	s5 =	sshll.u32 s28, $0x1;
	[dreg:$0x2] =	wrdreg s3  }
0x21: {  	[dreg:$0x3] =	wrdreg s5  }
0x22: {  	[dreg:$0x4] =	wrdreg $0xC0  }
0x23: {  	_ =	task [dreg:s7], $0x5FFFF  }
0x24: {  	[dreg:$0x1] =	wrdreg $0xFFFFFFFF  }
0x25: {  	[dreg:$0x0] =	wrdreg $0x60  }
0x26: {  	[dreg:$0x2] =	wrdreg s25  }
0x27: {  	[dreg:$0x3] =	wrdreg s2  }
0x28: {  	[dreg:$0x4] =	wrdreg $0x9  }
0x29: {  	_ =	task.clear_ibuf [dreg:s7], $0x5FFFF;
	_ =	strace $0x90000049  }
0x2a: {  	s29 =	simm.s32 $0x9;
	_ =	strace $0x8000004B  }
0x2b: {  	_ =	swait.ge [sflag:s29], $0x1  }
0x2c: {  	[sflag:s29] =	ssyncadd.s32 $0xFFFFFFFF  }
0x2d: {  	_ =	strace $0x9000004B  }
0x2e: {  	_ =	sfence  }
0x2f: {  	s30 =	sld [smem:$0x0];
	_ =	sdelay $0x2  }
0x30: {  	s31 =	sshll.u32 s1, $0xD;
	s1 =	sshrl.u32 s1, $0x2  }
0x31: {  	s3 =	sand.u32 $0x4000, s31;
	s1 =	sadd.s32 s1, s30  }
0x32: {  	s0 =	sor.u32 s3, s0;
	s1 =	sshll.u32 s1, $0x11  }
0x33: {  	s0 =	sor.u32 s1, s0  }
0x34: {  	s0 =	sadd.s32 $0x8F2B, s0  }
0x35: {  	[sflag:s0] =	ssyncadd.remote.s32 $0x1  }
0x36: {  	_ =	sfence.sel $0xFFFF  }
0x37: {  	[dreg:$0x0] =	wrdreg $0xFFFFFFFF;
	(pc) =	sbr.abs _section_cstart, $3  }
0x38: {  	[dreg:$0x1] =	wrdreg $0xFFFFFFFF  }
0x39: {  	_ =	task.clear_ibuf [dreg:s7], $0x2FFFF;
	_ =	strace $0x9FFFFFFF  }
0x3a: {  	(tm) =	ssettm $0x7FFFFFFF  }
0x3b: {  	_ =	shalt  }
tec
execute0_lowered:
.L_overlay_start_1:
0x0: {  	(tag) =	ssettag $0x1  }
0x1: {  	s0 =	srdreg.scid  }
0x2: {  	s1 =	sshll.u32 s0, $0x4  }
0x3: {  	s4 =	rddreg [dreg:$0x0];
	s0 =	stileid.u32;
	s1 =	sand.u32 $0x10, s1  }
0x4: {  	s2 =	rddreg [dreg:$0x1];
	s7 =	simm.s32 $0x1;
	s1 =	sor.u32 s0, s1  }
0x5: {  	s8 =	simm.s32 $0x2;
	s11 =	simm.s32 $0x0;
	s3 =	sshll.u32 s1, $0x7  }
0x6: {  	s10 =	simm.s32 $0x0;
	s4 =	sadd.s32 $0x800, s4;
	s6 =	ssub.s32 $0x80000, s3  }
.Ltmp0:
0x7: {  	s1 =	rddreg [dreg:$0x2];
	s5 =	sand.u32 $0xF80, s6;
	(pc) =	sbr.rel .LBB1_1-.Ltmp0, $4  }
0x8: {  	_ =	strace $0x8000004A;
	s9 =	smov.u32 s3;
	p0 =	sne.s32 s5, $0x0  }
0x9: {  	s6 =	sshrl.u32 s6, $0xC;
	s5 =	simm.s32 $0x1;
	s7 =	simm.s32 @!p0 $0x0  }
0xa: {  	[sflag:s5] =	ssyncpa.u1 $0x0;
	p0 =	por $0x0, $0x0;
	s6 =	sadd.s32 s7, s6  }
0xb: {  	[sflag:s8] =	ssyncpa.u1 $0x0;
	s8 =	simm.s32 $0x400000;
	s7 =	sadd.s32 $0x1, s6  }
.LBB1_4:
0xc: {  	[tilespmem:s12+$0xFFFFFFFC ss:$0x81] =	vst.msk $0xffff, v2;
	s14 =	sshll.u32 s11, $0x3  }
0xd: {  	[tilespmem:s12+$0xFFFFFFFD ss:$0x81] =	vst.msk $0xffff, v3;
	s15 =	sand.u32 $0x78, s11;
	s14 =	sand.u32 $0x7FC00, s14  }
0xe: {  	[tilespmem:s12+$0xFFFFFFFE ss:$0x81] =	vst.msk $0xffff, v1;
	s29 =	sand.u32 $0xF0000, s11;
	s30 =	sand.u32 $0x7, s11;
	s14 =	sor.u32 s15, s14  }
0xf: {  	[tilespmem:s12+$0xFFFFFFFF ss:$0x81] =	vst.msk $0xffff, v4;
	s11 =	sshll.u32 s30, $0x12;
	s15 =	sadd.s32 s2, s29;
	s14 =	sshrl.u32 s14, $0x3  }
0x10: {  	[tilespmem:s12+$0xFFFFFFF9 ss:$0x81] =	vst.msk $0xffff, v0;
	s11 =	sor.u32 $0x400, s11;
	s31 =	sadd.s32 s14, s15  }
0x11: {  	[hbm4b:s31+s11] =	stream.strided.scatter [tilespmem:s13], [sflag:$0x2], $0x800, s8, s11, $0x20;
	[tilespmem:$0x2020] =	vst v63  }
.LBB1_5:
0x12: {  	s13 =	sadd.s32 $0x1000, s9  }
0x13: {  	p2 =	sgt.s32 s13, $0x7FFFF  }
0x14: {  	s13 =	smov.u32 @p2 s3;
	p2 =	sne.s32 s10, s7  }
.Ltmp1:
0x15: {  	p1 =	slt.u32 s10, $0x2;
	(pc) =	sbr.rel @!p2 .LBB1_6-.Ltmp1, $4  }
0x16: {  	s12 =	simm.s32 @!p1 $0x2  }
0x17: {  	s14 =	sadd.s32 $0x1, s10;
	_ =	swait.ge @!p1 [sflag:s12], $0x800  }
0x18: {  	s11 =	smov.u32 s9;
	p0 =	por !p0, !p0;
	[sflag:s12] =	ssyncset.done @!p1 $0x0  }
0x19: {  	s10 =	smov.u32 s14;
	s9 =	smov.u32 s13;
	[sflag:s12] =	ssyncadd.s32 @!p1 $0xFFFFF800  }
.LBB1_1:
0x1a: {  	p1 =	sge.u32 s10, s6  }
0x1b: {  	s31 =	sadd.s32 $0xFFFFFFFF, s10;
	s12 =	sxor.u32 @!p1 $0xFFFFFFFF, s10;
	s13 =	sshll.u32 @!p1 s9, $0x4  }
0x1c: {  	s14 =	simm.s32 @!p1 $0x10;
	s12 =	sshll.u32 @!p1 s12, $0xB;
	s13 =	sand.u32 @!p1 $0x7FFFF0, s13  }
0x1d: {  	s15 =	simm.s32 @!p1 $0x80;
	s12 =	sand.u32 @!p1 $0x800, s12;
	s13 =	sadd.s32 @!p1 s4, s13  }
0x1e: {  	[tilespmem:s12], [sflag:$0x1] =	stream.strided.gather @!p1 [hbm4b:s13+s14], $0x800, s15, s14, $0x38;
	[tilespmem:$0x2020] =	vst v63  }
0x1f: {  	p1 =	sge.u32 s31, s6  }
.Ltmp2:
0x20: {  	_ = 	snop;
	(pc) =	sbr.rel @p1 .LBB1_5-.Ltmp2, $1  }
0x21: {  	_ =	sdelay $0x3  }
0x22: {  	s12 =	simm.s32 $0x1  }
0x23: {  	_ =	swait.ge [sflag:s5], $0x800;
	s12 =	simm.s32 @!p0 $0x0  }
0x24: {  	[sflag:s5] =	ssyncset.done $0x0;
	s13 =	sshll.u32 s12, $0xB  }
0x25: {  	[sflag:s5] =	ssyncadd.s32 $0xFFFFF800;
	s15 =	sor.u32 $0x40, s13  }
0x26: {  	v0 =	vld [tilespmem:s15+$0x30]  }
0x27: {  	s12 =	smul.u32 $0x2040, s12;
	v4 =	vld [tilespmem:s15+$0xFFFFFFD0]  }
0x28: {  	v5 =	vld [tilespmem:s15+$0xFFFFFFE0]  }
0x29: {  	s31 =	sand.u32 $0x1, s10;
	s12 =	sshrl.u32 s12, $0x2;
	v2 =	vld [tilespmem:s15+$0xFFFFFFF0]  }
0x2a: {  	s13 =	smul.u32 $0x2040, s31;
	v3 =	vld [tilespmem:s15+$0x0];
	s12 =	sor.u32 $0x1007, s12  }
0x2b: {  	v1 =	vld [tilespmem:s15+$0x10];
	[tilespmem:s12+$0x0 ss:$0x81] =	vst.msk $0xffff, v0  }
0x2c: {  	s13 =	sshrl.u32 s13, $0x2;
	[tilespmem:s12+$0xFFFFFFFA ss:$0x81] =	vst.msk $0xffff, v4;
	v4 =	vld [tilespmem:s15+$0x20]  }
0x2d: {  	s14 =	simm.s32 $0x0;
	s13 =	sor.u32 $0x1000, s13;
	v0 =	vld [tilespmem:s15+$0xFFFFFFC0];
	[tilespmem:s12+$0xFFFFFFFB ss:$0x81] =	vst.msk $0xffff, v5;
	s15 =	sadd.s32 $0x80, s15  }
.LBB1_3:
0x2e: {  	v5 =	vld [tilespmem:s15+$0x30];
	s14 =	sadd.s32 $0x8, s14;
	[tilespmem:s12+$0xFFFFFFFC ss:$0x81] =	vst.msk $0xffff, v2  }
0x2f: {  	v6 =	vld [tilespmem:s15+$0xFFFFFFD0];
	p1 =	slt.u32 s14, $0x78;
	[tilespmem:s12+$0xFFFFFFFD ss:$0x81] =	vst.msk $0xffff, v3  }
0x30: {  	v7 =	vld [tilespmem:s15+$0xFFFFFFE0];
	[tilespmem:s12+$0xFFFFFFFE ss:$0x81] =	vst.msk $0xffff, v1  }
.Ltmp3:
0x31: {  	v2 =	vld [tilespmem:s15+$0xFFFFFFF0];
	[tilespmem:s12+$0xFFFFFFFF ss:$0x81] =	vst.msk $0xffff, v4;
	(pc) =	sbr.rel @p1 .LBB1_3-.Ltmp3, $4  }
0x32: {  	v3 =	vld [tilespmem:s15+$0x0];
	[tilespmem:s12+$0xFFFFFFF9 ss:$0x81] =	vst.msk $0xffff, v0;
	s12 =	sadd.s32 $0x8, s12  }
0x33: {  	v1 =	vld [tilespmem:s15+$0x10];
	[tilespmem:s12+$0x0 ss:$0x81] =	vst.msk $0xffff, v5  }
0x34: {  	[tilespmem:s12+$0xFFFFFFFA ss:$0x81] =	vst.msk $0xffff, v6;
	v4 =	vld [tilespmem:s15+$0x20]  }
0x35: {  	v0 =	vld [tilespmem:s15+$0xFFFFFFC0];
	[tilespmem:s12+$0xFFFFFFFB ss:$0x81] =	vst.msk $0xffff, v7;
	s15 =	sadd.s32 $0x80, s15  }
.Ltmp4:
0x36: {  	_ = 	snop;
	(pc) =	sbr.rel .LBB1_4-.Ltmp4, $1  }
0x37: {  	_ =	sdelay $0x3  }
.LBB1_6:
0x38: {  	_ =	sfence.sel $0x180000  }
0x39: {  	s2 =	simm.s32 $0x1;
	[bflag:$0x0] =	sbarrier.arrive $0xFFFF  }
0x3a: {  	s31 =	simm.s32 $0x2;
	[sflag:s2] =	ssyncpa.u1 $0x1  }
0x3b: {  	[sflag:s31] =	ssyncpa.u1 $0x1  }
0x3c: {  	p0 =	sne.s32 s0, $0x0;
	_ =	strace $0x9000004A  }
0x3d: {  	s0 =	sadd.s32 @!p0 $0x100000, s1;
	[bflag:$0x2] =	sbarrier.arrive $0xFFFF  }
0x3e: {  	[sflag:s0] =	ssyncadd.tile.s32 @!p0 $0x1;
	_ =	shalt  }
.Lfunc_end1:
_tile_overlayer_lowered:
.L_overlay_start_2:
0x3f: {  	(tag) =	ssettag $0x2  }
0x40: {  	s0 =	rddreg [dreg:$0x0];
	s2 =	stileid.u32  }
0x41: {  	s1 =	rddreg [dreg:$0x1];
	p0 =	sne.s32 s2, $0x0  }
0x42: {  	s3 =	rddreg [dreg:$0x2];
	[bflag:$0x3] =	sbarrier.arrive $0xFFFF;
	s2 =	simm.s32 @!p0 $0x1C01  }
0x43: {  	[timem:s3], [sflag:s2] =	dma.local @!p0 [hbm:s0], s1  }
0x44: {  	s0 =	simm.s32 @!p0 $0x1  }
0x45: {  	_ =	swait.ge @!p0 [sflag:s0], s1  }
0x46: {  	s1 =	ssub.s32 @!p0 $0x0, s1;
	[sflag:s0] =	ssyncset.done @!p0 $0x0  }
0x47: {  	[sflag:s0] =	ssyncadd.s32 @!p0 s1  }
0x48: {  	[bflag:$0x3] =	sbarrier.arrive $0xFFFF  }
0x49: {  	_ =	shalt  }

</sc_bundles>
